<compile_context>
chip_gen: v7x
topology: tpu7x:2x2x1
jax: 0.10.2.dev20260603
libtpu: 0.0.44.dev20260713+nightly
codegen_flags: <defaults>
</compile_context>

<pallas_src>
import functools

import jax
import jax.numpy as jnp
from jax import lax
from jax.experimental import pallas as pl
from jax.experimental.pallas import tpu as pltpu
from jax.experimental.pallas import tpu_sc as plsc

_BATCH = 1024
_NGRID = 256 * 256
_NOBS = 8192
_LANES = 16
_NUM_WORKERS = 32
_ROWS_PER_W = _BATCH // _NUM_WORKERS
_HALF = _NGRID // 2


def _sc_column_gather(wbo, idx):
    mesh = plsc.VectorSubcoreMesh(core_axis_name="c", subcore_axis_name="s")

    @functools.partial(
        pl.kernel,
        out_type=jax.ShapeDtypeStruct((_BATCH, _NOBS), jnp.float32),
        mesh=mesh,
        scratch_types=[
            pltpu.VMEM((_NOBS,), jnp.int32),
            pltpu.VMEM((3 * _HALF,), jnp.float32),
            pltpu.VMEM((2 * _NOBS,), jnp.float32),
            pltpu.SemaphoreType.DMA,
            pltpu.SemaphoreType.DMA,
        ],
        compiler_params=pltpu.CompilerParams(needs_layout_passes=False),
    )
    def gather_kernel(
        wbo_hbm, idx_hbm, out_hbm, idx_v, hbuf_v, buf_v, osem, rsem
    ):
        cid = lax.axis_index("c")
        sid = lax.axis_index("s")
        wid = sid * 2 + cid
        base = wid * _ROWS_PER_W

        pltpu.sync_copy(idx_hbm, idx_v)

        def issue(row, h, slot3):
            src = wbo_hbm.at[base + row].at[pl.ds(h * _HALF, _HALF)]
            dst = hbuf_v.at[pl.ds(slot3 * _HALF, _HALF)]
            pltpu.async_copy(src, dst, rsem)

        def wait_row():
            pltpu.make_async_copy(
                wbo_hbm.at[base], hbuf_v.at[pl.ds(0, _NGRID)], rsem
            ).wait()

        issue(0, 0, 0)
        issue(0, 1, 1)

        def row_body(i, _):
            u0 = 2 * i
            slot_a = lax.rem(u0, 3)
            slot_b = lax.rem(u0 + 1, 3)
            slot_n = lax.rem(u0 + 2, 3)

            @pl.when(i < _ROWS_PER_W - 1)
            def _():
                issue(i + 1, 0, slot_n)

            wait_row()

            sbase = lax.rem(i, 2) * _NOBS

            @pl.when(i >= 2)
            def _():
                pltpu.make_async_copy(
                    buf_v.at[pl.ds(sbase, _NOBS)], out_hbm.at[base], osem
                ).wait()

            ofs_a = jnp.full((_LANES,), slot_a * _HALF, jnp.int32)
            ofs_b = jnp.full((_LANES,), slot_b * _HALF, jnp.int32)

            @plsc.parallel_loop(0, _NOBS, step=_LANES, unroll=16)
            def _extract(c):
                iv = idx_v[pl.ds(c, _LANES)]
                local = jnp.bitwise_and(iv, _HALF - 1)
                hi = iv >= _HALF
                addr = jnp.where(hi, ofs_b, ofs_a) + local
                buf_v[pl.ds(sbase + c, _LANES)] = plsc.load_gather(
                    hbuf_v, [addr]
                )

            @pl.when(i < _ROWS_PER_W - 1)
            def _():
                issue(i + 1, 1, slot_a)

            pltpu.async_copy(
                buf_v.at[pl.ds(sbase, _NOBS)], out_hbm.at[base + i], osem
            )
            return 0

        lax.fori_loop(0, _ROWS_PER_W, row_body, 0)

        pltpu.make_async_copy(
            buf_v.at[pl.ds(0, _NOBS)], out_hbm.at[base], osem
        ).wait()
        pltpu.make_async_copy(
            buf_v.at[pl.ds(_NOBS, _NOBS)], out_hbm.at[base], osem
        ).wait()

    return gather_kernel(wbo, idx)


def kernel(white_box_output, obs_idx):
    return _sc_column_gather(white_box_output, obs_idx.astype(jnp.int32))

# --- scband reference (transcript-rebuilt; emitter-appended) ---
"""Pipeline reference for scband-observation-model-21320217657989 (READ-ONLY COPY).

The authoritative reference and input builder live on the scoring server;
editing this copy changes nothing except your own understanding.
"""

import jax, jax.numpy as jnp
import numpy as np


def setup_inputs(seed: int = 0) -> dict:
    key = jax.random.key(seed)
    k1, k2 = jax.random.split(key)
    batch = 1024
    n_grid = 256 * 256  # nx * ny flattened state/grid dimension
    n_obs = 8192        # number of observable grid points (obs_idx from observability_idx)
    white_box_output = jax.random.normal(k1, (batch, n_grid), dtype=jnp.float32)
    obs_idx = jax.random.randint(k2, (n_obs,), 0, n_grid, dtype=jnp.int64) if jax.config.jax_enable_x64 else jax.random.randint(k2, (n_obs,), 0, n_grid, dtype=jnp.int32)
    return {"white_box_output": white_box_output, "obs_idx": obs_idx}


def reference(white_box_output, obs_idx):
    # Faithful translation of: white_box_output[:, self.obs_idx]
    # Column gather -> jnp.take along axis=1
    return jnp.take(white_box_output, obs_idx, axis=1)

if __name__ == "__main__":
    import jax
    _d = setup_inputs()
    print(jax.jit(kernel)(*tuple(_d.values())))

</pallas_src>

<mosaic_0001>
#map = affine_map<(d0, d1) -> (0, 0)>
#map1 = affine_map<(d0, d1) -> (0)>
module attributes {stable_mosaic.version = 14 : i64} {
  func.func @gather_kernel(%arg0: i32, %arg1: i32, %arg2: memref<1024x65536xf32, #tpu.memory_space<hbm>>, %arg3: memref<8192xi32, #tpu.memory_space<hbm>>, %arg4: memref<1024x8192xf32, #tpu.memory_space<hbm>>, %arg5: memref<8192xi32, #tpu.memory_space<vmem>>, %arg6: memref<98304xf32, #tpu.memory_space<vmem>>, %arg7: memref<16384xf32, #tpu.memory_space<vmem>>, %arg8: memref<!tpu.dma_semaphore, #tpu.memory_space<semaphore_mem>>, %arg9: memref<!tpu.dma_semaphore, #tpu.memory_space<semaphore_mem>>) attributes {dimension_semantics = [#tpu.dimension_semantics<core_parallel>, #tpu.dimension_semantics<subcore_parallel>], iteration_bounds = array<i64: 2, 16>, scalar_prefetch = 0 : i64, scratch_operands = 5 : i64, tpu.core_type = #tpu.core_type<sc_vector_subcore>, window_params = [{transform_indices = #map}, {transform_indices = #map1}, {transform_indices = #map}]} {
    %mul3A = arith.constant 2 : i32
    %mul3A_0 = arith.muli %arg1, %mul3A : i32
    %add3A = arith.addi %mul3A_0, %arg0 : i32
    %mul3A_1 = arith.constant 32 : i32
    %mul3A_2 = arith.muli %add3A, %mul3A_1 : i32
    "tpu.region"() ({
      %run_scoped3A = tpu.sem_alloc : memref<!tpu.dma_semaphore, #tpu.memory_space<semaphore_mem>>
      tpu.enqueue_dma source(%arg3 : memref<8192xi32, #tpu.memory_space<hbm>>) target(%arg5 : memref<8192xi32, #tpu.memory_space<vmem>>) target_semaphore(%run_scoped3A : memref<!tpu.dma_semaphore, #tpu.memory_space<semaphore_mem>>)
      tpu.wait_dma2 semaphore(%run_scoped3A : memref<!tpu.dma_semaphore, #tpu.memory_space<semaphore_mem>>) src(%arg3 : memref<8192xi32, #tpu.memory_space<hbm>>) dst(%arg5 : memref<8192xi32, #tpu.memory_space<vmem>>)
      tpu.yield
    }) : () -> ()
    %add3A_3 = arith.constant 0 : i32
    %add3A_4 = arith.addi %mul3A_2, %add3A_3 : i32
    %dma_start3A = arith.constant 0 : i32
    %dma_start3A_5 = tpu.memref_slice %arg6[%dma_start3A] : memref<98304xf32, #tpu.memory_space<vmem>> -> memref<32768xf32, #tpu.memory_space<vmem>>
    %dma_start3A_6 = arith.constant 0 : i32
    %dma_start3A_7 = tpu.memref_slice %arg2[%add3A_4, %dma_start3A_6] : memref<1024x65536xf32, #tpu.memory_space<hbm>> -> memref<1x65536xf32, #tpu.memory_space<hbm>>
    %dma_start3A_8 = tpu.memref_squeeze %dma_start3A_7 : memref<1x65536xf32, #tpu.memory_space<hbm>> -> memref<65536xf32, #tpu.memory_space<hbm>>
    %dma_start3A_9 = arith.constant 0 : i32
    %dma_start3A_10 = tpu.memref_slice %dma_start3A_8[%dma_start3A_9] : memref<65536xf32, #tpu.memory_space<hbm>> -> memref<32768xf32, #tpu.memory_space<hbm>>
    %dma_start3A_11 = arith.constant 0 : i32
    %dma_start3A_12 = tpu.memref_slice %arg6[%dma_start3A_11] : memref<98304xf32, #tpu.memory_space<vmem>> -> memref<32768xf32, #tpu.memory_space<vmem>>
    %dma_start3A_13 = arith.constant 0 : i32
    %dma_start3A_14 = tpu.memref_slice %arg2[%add3A_4, %dma_start3A_13] : memref<1024x65536xf32, #tpu.memory_space<hbm>> -> memref<1x65536xf32, #tpu.memory_space<hbm>>
    %dma_start3A_15 = tpu.memref_squeeze %dma_start3A_14 : memref<1x65536xf32, #tpu.memory_space<hbm>> -> memref<65536xf32, #tpu.memory_space<hbm>>
    %dma_start3A_16 = arith.constant 0 : i32
    %dma_start3A_17 = tpu.memref_slice %dma_start3A_15[%dma_start3A_16] : memref<65536xf32, #tpu.memory_space<hbm>> -> memref<32768xf32, #tpu.memory_space<hbm>>
    tpu.enqueue_dma source(%dma_start3A_17 : memref<32768xf32, #tpu.memory_space<hbm>>) target(%dma_start3A_12 : memref<32768xf32, #tpu.memory_space<vmem>>) target_semaphore(%arg9 : memref<!tpu.dma_semaphore, #tpu.memory_space<semaphore_mem>>)
    %add3A_18 = arith.constant 0 : i32
    %add3A_19 = arith.addi %mul3A_2, %add3A_18 : i32
    %dma_start3A_20 = arith.constant 32768 : i32
    %dma_start3A_21 = tpu.memref_slice %arg6[%dma_start3A_20] : memref<98304xf32, #tpu.memory_space<vmem>> -> memref<32768xf32, #tpu.memory_space<vmem>>
    %dma_start3A_22 = arith.constant 0 : i32
    %dma_start3A_23 = tpu.memref_slice %arg2[%add3A_19, %dma_start3A_22] : memref<1024x65536xf32, #tpu.memory_space<hbm>> -> memref<1x65536xf32, #tpu.memory_space<hbm>>
    %dma_start3A_24 = tpu.memref_squeeze %dma_start3A_23 : memref<1x65536xf32, #tpu.memory_space<hbm>> -> memref<65536xf32, #tpu.memory_space<hbm>>
    %dma_start3A_25 = arith.constant 32768 : i32
    %dma_start3A_26 = tpu.memref_slice %dma_start3A_24[%dma_start3A_25] : memref<65536xf32, #tpu.memory_space<hbm>> -> memref<32768xf32, #tpu.memory_space<hbm>>
    %dma_start3A_27 = arith.constant 32768 : i32
    %dma_start3A_28 = tpu.memref_slice %arg6[%dma_start3A_27] : memref<98304xf32, #tpu.memory_space<vmem>> -> memref<32768xf32, #tpu.memory_space<vmem>>
    %dma_start3A_29 = arith.constant 0 : i32
    %dma_start3A_30 = tpu.memref_slice %arg2[%add3A_19, %dma_start3A_29] : memref<1024x65536xf32, #tpu.memory_space<hbm>> -> memref<1x65536xf32, #tpu.memory_space<hbm>>
    %dma_start3A_31 = tpu.memref_squeeze %dma_start3A_30 : memref<1x65536xf32, #tpu.memory_space<hbm>> -> memref<65536xf32, #tpu.memory_space<hbm>>
    %dma_start3A_32 = arith.constant 32768 : i32
    %dma_start3A_33 = tpu.memref_slice %dma_start3A_31[%dma_start3A_32] : memref<65536xf32, #tpu.memory_space<hbm>> -> memref<32768xf32, #tpu.memory_space<hbm>>
    tpu.enqueue_dma source(%dma_start3A_33 : memref<32768xf32, #tpu.memory_space<hbm>>) target(%dma_start3A_28 : memref<32768xf32, #tpu.memory_space<vmem>>) target_semaphore(%arg9 : memref<!tpu.dma_semaphore, #tpu.memory_space<semaphore_mem>>)
    %scan3A = arith.constant 0 : i32
    %scan3A_34 = arith.constant 0 : i32
    %scan3A_35 = arith.constant 32 : i32
    %scan3A_36 = arith.addi %scan3A_34, %scan3A_35 : i32
    %scan3A_37 = arith.constant 1 : i32
    %scan3A_38 = scf.for %scan3A_59 = %scan3A_34 to %scan3A_36 step %scan3A_37 iter_args(%scan3A_60 = %scan3A) -> (i32)  : i32 {
      %mul3A_61 = arith.constant 2 : i32
      %mul3A_62 = arith.muli %mul3A_61, %scan3A_59 : i32
      %rem3A = arith.constant 3 : i32
      %rem3A_63 = arith.remsi %mul3A_62, %rem3A : i32
      %add3A_64 = arith.constant 1 : i32
      %add3A_65 = arith.addi %mul3A_62, %add3A_64 : i32
      %rem3A_66 = arith.constant 3 : i32
      %rem3A_67 = arith.remsi %add3A_65, %rem3A_66 : i32
      %add3A_68 = arith.constant 2 : i32
      %add3A_69 = arith.addi %mul3A_62, %add3A_68 : i32
      %rem3A_70 = arith.constant 3 : i32
      %rem3A_71 = arith.remsi %add3A_69, %rem3A_70 : i32
      %lt3A = arith.constant 31 : i32
      %lt3A_72 = arith.cmpi slt, %scan3A_59, %lt3A : i32
      %convert_element_type3A = arith.extui %lt3A_72 : i1 to i32
      %cond3A = arith.constant 0 : i32
      %cond3A_73 = arith.cmpi ne, %convert_element_type3A, %cond3A : i32
      scf.if %cond3A_73 {
        %add3A_114 = arith.constant 1 : i32
        %add3A_115 = arith.addi %scan3A_59, %add3A_114 : i32
        %add3A_116 = arith.addi %mul3A_2, %add3A_115 : i32
        %mul3A_117 = arith.constant 32768 : i32
        %mul3A_118 = arith.muli %rem3A_71, %mul3A_117 : i32
        %dma_start3A_119 = tpu.memref_slice %arg6[%mul3A_118] : memref<98304xf32, #tpu.memory_space<vmem>> -> memref<32768xf32, #tpu.memory_space<vmem>>
        %dma_start3A_120 = arith.constant 0 : i32
        %dma_start3A_121 = tpu.memref_slice %arg2[%add3A_116, %dma_start3A_120] : memref<1024x65536xf32, #tpu.memory_space<hbm>> -> memref<1x65536xf32, #tpu.memory_space<hbm>>
        %dma_start3A_122 = tpu.memref_squeeze %dma_start3A_121 : memref<1x65536xf32, #tpu.memory_space<hbm>> -> memref<65536xf32, #tpu.memory_space<hbm>>
        %dma_start3A_123 = arith.constant 0 : i32
        %dma_start3A_124 = tpu.memref_slice %dma_start3A_122[%dma_start3A_123] : memref<65536xf32, #tpu.memory_space<hbm>> -> memref<32768xf32, #tpu.memory_space<hbm>>
        %dma_start3A_125 = tpu.memref_slice %arg6[%mul3A_118] : memref<98304xf32, #tpu.memory_space<vmem>> -> memref<32768xf32, #tpu.memory_space<vmem>>
        %dma_start3A_126 = arith.constant 0 : i32
        %dma_start3A_127 = tpu.memref_slice %arg2[%add3A_116, %dma_start3A_126] : memref<1024x65536xf32, #tpu.memory_space<hbm>> -> memref<1x65536xf32, #tpu.memory_space<hbm>>
        %dma_start3A_128 = tpu.memref_squeeze %dma_start3A_127 : memref<1x65536xf32, #tpu.memory_space<hbm>> -> memref<65536xf32, #tpu.memory_space<hbm>>
        %dma_start3A_129 = arith.constant 0 : i32
        %dma_start3A_130 = tpu.memref_slice %dma_start3A_128[%dma_start3A_129] : memref<65536xf32, #tpu.memory_space<hbm>> -> memref<32768xf32, #tpu.memory_space<hbm>>
        tpu.enqueue_dma source(%dma_start3A_130 : memref<32768xf32, #tpu.memory_space<hbm>>) target(%dma_start3A_125 : memref<32768xf32, #tpu.memory_space<vmem>>) target_semaphore(%arg9 : memref<!tpu.dma_semaphore, #tpu.memory_space<semaphore_mem>>)
      } else {
      }
      %dma_wait3A_74 = arith.constant 0 : i32
      %dma_wait3A_75 = tpu.memref_slice %arg6[%dma_wait3A_74] : memref<98304xf32, #tpu.memory_space<vmem>> -> memref<65536xf32, #tpu.memory_space<vmem>>
      %dma_wait3A_76 = arith.constant 0 : i32
      %dma_wait3A_77 = tpu.memref_slice %arg2[%mul3A_2, %dma_wait3A_76] : memref<1024x65536xf32, #tpu.memory_space<hbm>> -> memref<1x65536xf32, #tpu.memory_space<hbm>>
      %dma_wait3A_78 = tpu.memref_squeeze %dma_wait3A_77 : memref<1x65536xf32, #tpu.memory_space<hbm>> -> memref<65536xf32, #tpu.memory_space<hbm>>
      %dma_wait3A_79 = arith.constant 0 : i32
      %dma_wait3A_80 = tpu.memref_slice %arg6[%dma_wait3A_79] : memref<98304xf32, #tpu.memory_space<vmem>> -> memref<65536xf32, #tpu.memory_space<vmem>>
      %dma_wait3A_81 = arith.constant 0 : i32
      %dma_wait3A_82 = tpu.memref_slice %arg2[%mul3A_2, %dma_wait3A_81] : memref<1024x65536xf32, #tpu.memory_space<hbm>> -> memref<1x65536xf32, #tpu.memory_space<hbm>>
      %dma_wait3A_83 = tpu.memref_squeeze %dma_wait3A_82 : memref<1x65536xf32, #tpu.memory_space<hbm>> -> memref<65536xf32, #tpu.memory_space<hbm>>
      tpu.wait_dma2 semaphore(%arg9 : memref<!tpu.dma_semaphore, #tpu.memory_space<semaphore_mem>>) src(%dma_wait3A_83 : memref<65536xf32, #tpu.memory_space<hbm>>) dst(%dma_wait3A_80 : memref<65536xf32, #tpu.memory_space<vmem>>)
      %rem3A_84 = arith.constant 2 : i32
      %rem3A_85 = arith.remsi %scan3A_59, %rem3A_84 : i32
      %mul3A_86 = arith.constant 8192 : i32
      %mul3A_87 = arith.muli %rem3A_85, %mul3A_86 : i32
      %ge3A = arith.constant 2 : i32
      %ge3A_88 = arith.cmpi sge, %scan3A_59, %ge3A : i32
      %convert_element_type3A_89 = arith.extui %ge3A_88 : i1 to i32
      %cond3A_90 = arith.constant 0 : i32
      %cond3A_91 = arith.cmpi ne, %convert_element_type3A_89, %cond3A_90 : i32
      scf.if %cond3A_91 {
        %dma_wait3A_114 = tpu.memref_slice %arg7[%mul3A_87] : memref<16384xf32, #tpu.memory_space<vmem>> -> memref<8192xf32, #tpu.memory_space<vmem>>
        %dma_wait3A_115 = arith.constant 0 : i32
        %dma_wait3A_116 = tpu.memref_slice %arg4[%mul3A_2, %dma_wait3A_115] : memref<1024x8192xf32, #tpu.memory_space<hbm>> -> memref<1x8192xf32, #tpu.memory_space<hbm>>
        %dma_wait3A_117 = tpu.memref_squeeze %dma_wait3A_116 : memref<1x8192xf32, #tpu.memory_space<hbm>> -> memref<8192xf32, #tpu.memory_space<hbm>>
        %dma_wait3A_118 = arith.constant 0 : i32
        %dma_wait3A_119 = tpu.memref_slice %arg4[%mul3A_2, %dma_wait3A_118] : memref<1024x8192xf32, #tpu.memory_space<hbm>> -> memref<1x8192xf32, #tpu.memory_space<hbm>>
        %dma_wait3A_120 = tpu.memref_squeeze %dma_wait3A_119 : memref<1x8192xf32, #tpu.memory_space<hbm>> -> memref<8192xf32, #tpu.memory_space<hbm>>
        %dma_wait3A_121 = tpu.memref_slice %arg7[%mul3A_87] : memref<16384xf32, #tpu.memory_space<vmem>> -> memref<8192xf32, #tpu.memory_space<vmem>>
        tpu.wait_dma2 semaphore(%arg8 : memref<!tpu.dma_semaphore, #tpu.memory_space<semaphore_mem>>) src(%dma_wait3A_121 : memref<8192xf32, #tpu.memory_space<vmem>>) dst(%dma_wait3A_120 : memref<8192xf32, #tpu.memory_space<hbm>>)
      } else {
      }
      %mul3A_92 = arith.constant 32768 : i32
      %mul3A_93 = arith.muli %rem3A_63, %mul3A_92 : i32
      %broadcast_in_dim3A = vector.broadcast %mul3A_93 : i32 to vector<16xi32>
      %mul3A_94 = arith.constant 32768 : i32
      %mul3A_95 = arith.muli %rem3A_67, %mul3A_94 : i32
      %broadcast_in_dim3A_96 = vector.broadcast %mul3A_95 : i32 to vector<16xi32>
      %parallel_loop3A = arith.constant 0 : i32
      %parallel_loop3A_97 = arith.constant 8192 : i32
      %parallel_loop3A_98 = arith.constant 16 : i32
      scf.for %parallel_loop3A_114 = %parallel_loop3A to %parallel_loop3A_97 step %parallel_loop3A_98  : i32 {
        %parallel_loop3A_115 = arith.index_cast %parallel_loop3A_114 : i32 to index
        %parallel_loop3A_116 = tpu.vector_load %arg5[%parallel_loop3A_115] {strides = array<i32>} : memref<8192xi32, #tpu.memory_space<vmem>>, vector<16xi32>,
        %parallel_loop3A_117 = arith.constant 32767 : i32
        %parallel_loop3A_118 = vector.broadcast %parallel_loop3A_117 : i32 to vector<16xi32>
        %parallel_loop3A_119 = arith.andi %parallel_loop3A_116, %parallel_loop3A_118 : vector<16xi32>
        %parallel_loop3A_120 = arith.constant 32768 : i32
        %parallel_loop3A_121 = vector.broadcast %parallel_loop3A_120 : i32 to vector<16xi32>
        %parallel_loop3A_122 = arith.cmpi sge, %parallel_loop3A_116, %parallel_loop3A_121 : vector<16xi32>
        %parallel_loop3A_123 = arith.select %parallel_loop3A_122, %broadcast_in_dim3A_96, %broadcast_in_dim3A : vector<16xi1>, vector<16xi32>
        %parallel_loop3A_124 = arith.addi %parallel_loop3A_123, %parallel_loop3A_119 : vector<16xi32>
        %parallel_loop3A_125 = tpu.vector_load_idx %arg6[%parallel_loop3A_124] : memref<98304xf32, #tpu.memory_space<vmem>>[vector<16xi32>], vector<16xf32>,
        %parallel_loop3A_126 = arith.addi %mul3A_87, %parallel_loop3A_114 : i32
        %parallel_loop3A_127 = arith.index_cast %parallel_loop3A_126 : i32 to index
        %parallel_loop3A_128 = tpu.vector_load %arg7[%parallel_loop3A_127] {strides = array<i32>} : memref<16384xf32, #tpu.memory_space<vmem>>, vector<16xf32>,
        tpu.vector_store %arg7[%parallel_loop3A_127], %parallel_loop3A_125 {strides = array<i32>} : memref<16384xf32, #tpu.memory_space<vmem>>, vector<16xf32>,
      } {sc.loop_unroll_factor = 16 : i64, sc.parallel_access}
      %lt3A_99 = arith.constant 31 : i32
      %lt3A_100 = arith.cmpi slt, %scan3A_59, %lt3A_99 : i32
      %convert_element_type3A_101 = arith.extui %lt3A_100 : i1 to i32
      %cond3A_102 = arith.constant 0 : i32
      %cond3A_103 = arith.cmpi ne, %convert_element_type3A_101, %cond3A_102 : i32
      scf.if %cond3A_103 {
        %add3A_114 = arith.constant 1 : i32
        %add3A_115 = arith.addi %scan3A_59, %add3A_114 : i32
        %add3A_116 = arith.addi %mul3A_2, %add3A_115 : i32
        %mul3A_117 = arith.constant 32768 : i32
        %mul3A_118 = arith.muli %rem3A_63, %mul3A_117 : i32
        %dma_start3A_119 = tpu.memref_slice %arg6[%mul3A_118] : memref<98304xf32, #tpu.memory_space<vmem>> -> memref<32768xf32, #tpu.memory_space<vmem>>
        %dma_start3A_120 = arith.constant 0 : i32
        %dma_start3A_121 = tpu.memref_slice %arg2[%add3A_116, %dma_start3A_120] : memref<1024x65536xf32, #tpu.memory_space<hbm>> -> memref<1x65536xf32, #tpu.memory_space<hbm>>
        %dma_start3A_122 = tpu.memref_squeeze %dma_start3A_121 : memref<1x65536xf32, #tpu.memory_space<hbm>> -> memref<65536xf32, #tpu.memory_space<hbm>>
        %dma_start3A_123 = arith.constant 32768 : i32
        %dma_start3A_124 = tpu.memref_slice %dma_start3A_122[%dma_start3A_123] : memref<65536xf32, #tpu.memory_space<hbm>> -> memref<32768xf32, #tpu.memory_space<hbm>>
        %dma_start3A_125 = tpu.memref_slice %arg6[%mul3A_118] : memref<98304xf32, #tpu.memory_space<vmem>> -> memref<32768xf32, #tpu.memory_space<vmem>>
        %dma_start3A_126 = arith.constant 0 : i32
        %dma_start3A_127 = tpu.memref_slice %arg2[%add3A_116, %dma_start3A_126] : memref<1024x65536xf32, #tpu.memory_space<hbm>> -> memref<1x65536xf32, #tpu.memory_space<hbm>>
        %dma_start3A_128 = tpu.memref_squeeze %dma_start3A_127 : memref<1x65536xf32, #tpu.memory_space<hbm>> -> memref<65536xf32, #tpu.memory_space<hbm>>
        %dma_start3A_129 = arith.constant 32768 : i32
        %dma_start3A_130 = tpu.memref_slice %dma_start3A_128[%dma_start3A_129] : memref<65536xf32, #tpu.memory_space<hbm>> -> memref<32768xf32, #tpu.memory_space<hbm>>
        tpu.enqueue_dma source(%dma_start3A_130 : memref<32768xf32, #tpu.memory_space<hbm>>) target(%dma_start3A_125 : memref<32768xf32, #tpu.memory_space<vmem>>) target_semaphore(%arg9 : memref<!tpu.dma_semaphore, #tpu.memory_space<semaphore_mem>>)
      } else {
      }
      %add3A_104 = arith.addi %mul3A_2, %scan3A_59 : i32
      %dma_start3A_105 = tpu.memref_slice %arg7[%mul3A_87] : memref<16384xf32, #tpu.memory_space<vmem>> -> memref<8192xf32, #tpu.memory_space<vmem>>
      %dma_start3A_106 = arith.constant 0 : i32
      %dma_start3A_107 = tpu.memref_slice %arg4[%add3A_104, %dma_start3A_106] : memref<1024x8192xf32, #tpu.memory_space<hbm>> -> memref<1x8192xf32, #tpu.memory_space<hbm>>
      %dma_start3A_108 = tpu.memref_squeeze %dma_start3A_107 : memref<1x8192xf32, #tpu.memory_space<hbm>> -> memref<8192xf32, #tpu.memory_space<hbm>>
      %dma_start3A_109 = arith.constant 0 : i32
      %dma_start3A_110 = tpu.memref_slice %arg4[%add3A_104, %dma_start3A_109] : memref<1024x8192xf32, #tpu.memory_space<hbm>> -> memref<1x8192xf32, #tpu.memory_space<hbm>>
      %dma_start3A_111 = tpu.memref_squeeze %dma_start3A_110 : memref<1x8192xf32, #tpu.memory_space<hbm>> -> memref<8192xf32, #tpu.memory_space<hbm>>
      %dma_start3A_112 = tpu.memref_slice %arg7[%mul3A_87] : memref<16384xf32, #tpu.memory_space<vmem>> -> memref<8192xf32, #tpu.memory_space<vmem>>
      tpu.enqueue_dma source(%dma_start3A_112 : memref<8192xf32, #tpu.memory_space<vmem>>) target(%dma_start3A_111 : memref<8192xf32, #tpu.memory_space<hbm>>) target_semaphore(%arg8 : memref<!tpu.dma_semaphore, #tpu.memory_space<semaphore_mem>>)
      %scan3A_113 = arith.constant 0 : i32
      scf.yield %scan3A_113 : i32
    }
    %scan3A_39 = arith.constant 32 : i32
    %dma_wait3A = arith.constant 0 : i32
    %dma_wait3A_40 = tpu.memref_slice %arg7[%dma_wait3A] : memref<16384xf32, #tpu.memory_space<vmem>> -> memref<8192xf32, #tpu.memory_space<vmem>>
    %dma_wait3A_41 = arith.constant 0 : i32
    %dma_wait3A_42 = tpu.memref_slice %arg4[%mul3A_2, %dma_wait3A_41] : memref<1024x8192xf32, #tpu.memory_space<hbm>> -> memref<1x8192xf32, #tpu.memory_space<hbm>>
    %dma_wait3A_43 = tpu.memref_squeeze %dma_wait3A_42 : memref<1x8192xf32, #tpu.memory_space<hbm>> -> memref<8192xf32, #tpu.memory_space<hbm>>
    %dma_wait3A_44 = arith.constant 0 : i32
    %dma_wait3A_45 = tpu.memref_slice %arg4[%mul3A_2, %dma_wait3A_44] : memref<1024x8192xf32, #tpu.memory_space<hbm>> -> memref<1x8192xf32, #tpu.memory_space<hbm>>
    %dma_wait3A_46 = tpu.memref_squeeze %dma_wait3A_45 : memref<1x8192xf32, #tpu.memory_space<hbm>> -> memref<8192xf32, #tpu.memory_space<hbm>>
    %dma_wait3A_47 = arith.constant 0 : i32
    %dma_wait3A_48 = tpu.memref_slice %arg7[%dma_wait3A_47] : memref<16384xf32, #tpu.memory_space<vmem>> -> memref<8192xf32, #tpu.memory_space<vmem>>
    tpu.wait_dma2 semaphore(%arg8 : memref<!tpu.dma_semaphore, #tpu.memory_space<semaphore_mem>>) src(%dma_wait3A_48 : memref<8192xf32, #tpu.memory_space<vmem>>) dst(%dma_wait3A_46 : memref<8192xf32, #tpu.memory_space<hbm>>)
    %dma_wait3A_49 = arith.constant 8192 : i32
    %dma_wait3A_50 = tpu.memref_slice %arg7[%dma_wait3A_49] : memref<16384xf32, #tpu.memory_space<vmem>> -> memref<8192xf32, #tpu.memory_space<vmem>>
    %dma_wait3A_51 = arith.constant 0 : i32
    %dma_wait3A_52 = tpu.memref_slice %arg4[%mul3A_2, %dma_wait3A_51] : memref<1024x8192xf32, #tpu.memory_space<hbm>> -> memref<1x8192xf32, #tpu.memory_space<hbm>>
    %dma_wait3A_53 = tpu.memref_squeeze %dma_wait3A_52 : memref<1x8192xf32, #tpu.memory_space<hbm>> -> memref<8192xf32, #tpu.memory_space<hbm>>
    %dma_wait3A_54 = arith.constant 0 : i32
    %dma_wait3A_55 = tpu.memref_slice %arg4[%mul3A_2, %dma_wait3A_54] : memref<1024x8192xf32, #tpu.memory_space<hbm>> -> memref<1x8192xf32, #tpu.memory_space<hbm>>
    %dma_wait3A_56 = tpu.memref_squeeze %dma_wait3A_55 : memref<1x8192xf32, #tpu.memory_space<hbm>> -> memref<8192xf32, #tpu.memory_space<hbm>>
    %dma_wait3A_57 = arith.constant 8192 : i32
    %dma_wait3A_58 = tpu.memref_slice %arg7[%dma_wait3A_57] : memref<16384xf32, #tpu.memory_space<vmem>> -> memref<8192xf32, #tpu.memory_space<vmem>>
    tpu.wait_dma2 semaphore(%arg8 : memref<!tpu.dma_semaphore, #tpu.memory_space<semaphore_mem>>) src(%dma_wait3A_58 : memref<8192xf32, #tpu.memory_space<vmem>>) dst(%dma_wait3A_56 : memref<8192xf32, #tpu.memory_space<hbm>>)
    return
  }
}

</mosaic_0001>

<sc_bundles>
// kernel: kernel.3.cloned.1.call-start
scs
__scs_entry_jumppad:
0x0: {  	(pc) =	sbr.rel $0x88, $3  }
0x1: {  	(tag) =	ssettag $0x0;
	lr =	simm.s32 $0x1  }
0x2: {  	[smem:$0x3F9F] =	sst lr;
	_ =	strace $0xD0000000  }
0x3: {  	_ = 	snop  }
0x4: {  	_ = 	snop  }
0x5: {  	_ = 	snop  }
0x6: {  	_ = 	snop  }
0x7: {  	_ = 	snop  }
__scs_overlays_trampoline_lowered:
0x8: {  	[smem:$0x3FAE] =	sst s0  }
0x9: {  	[smem:$0x3FAF] =	sst s1  }
0xa: {  	[smem:$0x3FB0] =	sst s2  }
0xb: {  	[smem:$0x3FB1] =	sst s3  }
0xc: {  	[smem:$0x3FB2] =	sst s4  }
0xd: {  	[smem:$0x3FB3] =	sst s5  }
0xe: {  	[smem:$0x3FB4] =	sst s6  }
0xf: {  	[smem:$0x3FB5] =	sst s7  }
0x10: {  	[smem:$0x3FB6] =	sst s8  }
0x11: {  	[smem:$0x3FB7] =	sst s9;
	s0 =	simm.s32 @!p0 $0x0  }
0x12: {  	s1 =	sld [smem:$0x3F9D];
	s0 =	simm.s32 @p0 $0x1  }
0x13: {  	[smem:$0x3FB8] =	sst s0;
	s0 =	simm.s32 @!p1 $0x0  }
0x14: {  	s2 =	sld [smem:$0x3F9C];
	s0 =	simm.s32 @p1 $0x1  }
0x15: {  	[smem:$0x3FB9] =	sst s0;
	s0 =	simm.s32 @!p2 $0x0  }
0x16: {  	s3 =	sld [smem:$0x3FDB];
	s0 =	simm.s32 @p2 $0x1  }
0x17: {  	s4 =	simm.s32 $0x1BF5;
	[smem:$0x3FBB] =	sst s0  }
0x18: {  	s0 =	sld [smem:$0x3F9E];
	_ =	swait.ge [sflag:s4], $0x0  }
0x19: {  	s7 =	sld [smem:$0x3F9F]  }
0x1a: {  	s8 =	sadd.s32 $0xFFFFE003, lr  }
0x1b: {  	s9 =	sadd.s32 $0xFFFFFEF7, lr;
	s5 =	simm.s32 $0xFFFFFFFF;
	p2 =	slt.u32 s8, $0xFFFFF086  }
0x1c: {  	p1 =	slt.u32 s9, $0xF7A;
	s5 =	simm.s32 @!p2 $0x0  }
0x1d: {  	s5 =	simm.s32 @p1 $0x1;
	p0 =	seq.s32 s7, s2  }
0x1e: {  	s7 =	smul.u32 @!p0 $0xF7A, s2;
	p2 =	seq.s32 @!p0 s5, $0x0  }
0x1f: {  	s9 =	smul.u32 $0xF7A, s1;
	s8 =	simm.s32 @!p0 $0x1BF5;
	p2 =	por !p2, p0  }
0x20: {  	[sflag:s8] =	ssyncset.s32 @!p0 $0xFFFFF086;
	s6 =	sadd.s32 @!p0 s3, s7;
	s7 =	simm.s32 @!p0 $0x108  }
0x21: {  	s3 =	sadd.s32 s3, s9;
	s6 =	sadd.s32 @!p0 $0x88, s6;
	s7 =	simm.s32 @p2 $0x1082  }
0x22: {  	[simem:s7], [sflag:s8] =	dma.local @!p0 [hbm:s6], $0xF7A  }
0x23: {  	s9 =	sor.u32 $0xD0000000, s2;
	s6 =	simm.s32 $0x108;
	_ =	swait.ge @!p0 [sflag:s8], $0x0  }
0x24: {  	s3 =	sadd.s32 $0x88, s3;
	s6 =	simm.s32 @!p1 $0x1082;
	[sflag:s4] =	ssyncset.s32 $0xFFFFF086  }
0x25: {  	[simem:s6], [sflag:s4] =	dma.local [hbm:s3], $0xF7A  }
0x26: {  	[smem:$0x3F9F] =	sst s1;
	(tag) =	ssettag s2;
	_ =	strace s9  }
0x27: {  	s1 =	sld [smem:$0x3FAF]  }
0x28: {  	s2 =	sld [smem:$0x3FB0]  }
0x29: {  	s4 =	sld [smem:$0x3FB2]  }
0x2a: {  	p0 =	seq.s32 s5, $0x0;
	s5 =	sld [smem:$0x3FB3]  }
0x2b: {  	s6 =	sld [smem:$0x3FB4]  }
0x2c: {  	s7 =	sld [smem:$0x3FB5]  }
0x2d: {  	s3 =	simm.s32 $0x108;
	s8 =	sld [smem:$0x3FB6]  }
0x2e: {  	s3 =	simm.s32 @!p0 $0x1082;
	s9 =	sld [smem:$0x3FB7]  }
0x2f: {  	lr =	sadd.s32 s0, s3;
	s0 =	sld [smem:$0x3FAE]  }
0x30: {  	s3 =	sld [smem:$0x3FB1]  }
0x31: {  	[smem:$0x3FBA] =	sst s10  }
0x32: {  	s10 =	sld [smem:$0x3FB8];
	_ =	sdelay $0x3  }
0x33: {  	p0 =	seq.s32 s10, $0x1;
	s10 =	sld [smem:$0x3FBA];
	_ =	sdelay $0x3  }
0x34: {  	[smem:$0x3FBA] =	sst s10  }
0x35: {  	s10 =	sld [smem:$0x3FB9];
	_ =	sdelay $0x3  }
0x36: {  	p1 =	seq.s32 s10, $0x1;
	s10 =	sld [smem:$0x3FBA];
	_ =	sdelay $0x3  }
0x37: {  	[smem:$0x3FBA] =	sst s10  }
0x38: {  	s10 =	sld [smem:$0x3FBB]  }
0x39: {  	_ = 	snop;
	(pc) =	sbr.ind lr, $3  }
0x3a: {  	_ = 	snop  }
0x3b: {  	_ = 	snop  }
0x3c: {  	p2 =	seq.s32 s10, $0x1;
	s10 =	sld [smem:$0x3FBA]  }
0x3d: {  	_ =	shalt  }
0x3e: {  	_ =	shalt  }
0x3f: {  	_ =	shalt  }
0x40: {  	_ =	shalt  }
0x41: {  	_ =	shalt  }
0x42: {  	_ =	shalt  }
0x43: {  	_ =	shalt  }
0x44: {  	_ =	shalt  }
0x45: {  	_ =	shalt  }
0x46: {  	_ =	shalt  }
0x47: {  	_ =	shalt  }
0x48: {  	_ =	shalt  }
0x49: {  	_ =	shalt  }
0x4a: {  	_ =	shalt  }
0x4b: {  	_ =	shalt  }
0x4c: {  	_ =	shalt  }
0x4d: {  	_ =	shalt  }
0x4e: {  	_ =	shalt  }
0x4f: {  	_ =	shalt  }
0x50: {  	_ =	shalt  }
0x51: {  	_ =	shalt  }
0x52: {  	_ =	shalt  }
0x53: {  	_ =	shalt  }
0x54: {  	_ =	shalt  }
0x55: {  	_ =	shalt  }
0x56: {  	_ =	shalt  }
0x57: {  	_ =	shalt  }
0x58: {  	_ =	shalt  }
0x59: {  	_ =	shalt  }
0x5a: {  	_ =	shalt  }
0x5b: {  	_ =	shalt  }
0x5c: {  	_ =	shalt  }
0x5d: {  	_ =	shalt  }
0x5e: {  	_ =	shalt  }
0x5f: {  	_ =	shalt  }
0x60: {  	_ =	shalt  }
0x61: {  	_ =	shalt  }
0x62: {  	_ =	shalt  }
0x63: {  	_ =	shalt  }
0x64: {  	_ =	shalt  }
0x65: {  	_ =	shalt  }
0x66: {  	_ =	shalt  }
0x67: {  	_ =	shalt  }
0x68: {  	_ =	shalt  }
0x69: {  	_ =	shalt  }
0x6a: {  	_ =	shalt  }
0x6b: {  	_ =	shalt  }
0x6c: {  	_ =	shalt  }
0x6d: {  	_ =	shalt  }
0x6e: {  	_ =	shalt  }
0x6f: {  	_ =	shalt  }
0x70: {  	_ =	shalt  }
0x71: {  	_ =	shalt  }
0x72: {  	_ =	shalt  }
0x73: {  	_ =	shalt  }
0x74: {  	_ =	shalt  }
0x75: {  	_ =	shalt  }
0x76: {  	_ =	shalt  }
0x77: {  	_ =	shalt  }
0x78: {  	_ =	shalt  }
0x79: {  	_ =	shalt  }
0x7a: {  	_ =	shalt  }
0x7b: {  	_ =	shalt  }
0x7c: {  	_ =	shalt  }
0x7d: {  	_ =	shalt  }
0x7e: {  	_ =	shalt  }
0x7f: {  	_ =	shalt  }
0x80: {  	_ =	shalt  }
0x81: {  	_ =	shalt  }
0x82: {  	_ =	shalt  }
0x83: {  	_ =	shalt  }
0x84: {  	_ =	shalt  }
0x85: {  	_ =	shalt  }
0x86: {  	_ =	shalt  }
0x87: {  	_ =	shalt  }
.Lfunc_end0:
.L_simem_size_0:
called_computation_lowered:
.L_overlay_start_0:
0x88: {  	s2 =	sld [smem:$0x3FD9]  }
0x89: {  	s3 =	sld [smem:$0x3FFE];
	_ =	sdelay $0x1  }
0x8a: {  	s1 =	srdreg.scid  }
0x8b: {  	s0 =	sand.u32 $0x1, s1  }
0x8c: {  	s18 =	sshll.u32 s0, $0xA;
	s2 =	sadd.s32 s3, s2  }
0x8d: {  	s2 =	sadd.s32 s2, s18  }
0x8e: {  	[smem:$0x3FC6] =	sst s2  }
0x8f: {  	_ = 	snop  }
0x90: {  	s2 =	sld [smem:$0x3FC9]  }
0x91: {  	s19 =	sld [smem:$0x3FC8]  }
0x92: {  	s4 =	sld [smem:$0x3FD0];
	(tm) =	ssettm $0x1  }
0x93: {  	s5 =	sld [smem:$0x3FFB];
	_ =	sdelay $0x3  }
0x94: {  	_ =	strace s5  }
0x95: {  	s5 =	sld [smem:$0x3FFC];
	_ =	sdelay $0x3  }
0x96: {  	_ =	strace s5  }
0x97: {  	s5 =	sld [smem:$0x3FFD];
	_ =	sdelay $0x3  }
0x98: {  	_ =	strace s5  }
0x99: {  	_ =	strace $0x8FFFFFFF  }
0x9a: {  	s20 =	sld [smem:$0x3FDB];
	_ =	sdelay $0x1  }
0x9b: {  	s6 =	simm.s32 $_scs_section_size  }
0x9c: {  	s7 =	simm.s32 $_size__tile_overlayer_lowered;
	s8 =	simm.s32 $_tile_overlayer_lowered  }
0x9d: {  	s23 =	simm.s32 $0x1BFF;
	s22 =	sshll.u32 s8, $0x1;
	s5 =	sadd.s32 s6, s20  }
0x9e: {  	s9 =	simm.s32 $0x0;
	s21 =	sshll.u32 s7, $0x1;
	s7 =	sadd.s32 s22, s5  }
0x9f: {  	[timem:s9], [sflag:s23] =	dma.local [hbm:s7], s21  }
0xa0: {  	_ =	swait.ge [sflag:s23], s21  }
0xa1: {  	s6 =	ssub.s32 $0x0, s21;
	[sflag:s23] =	ssyncset.done $0x0  }
0xa2: {  	[sflag:s23] =	ssyncadd.s32 s6;
	_ =	sdelay $0x1  }
0xa3: {  	s24 =	simm.s32 $0x1B8B  }
0xa4: {  	_ =	swait.ge [sflag:s24], $0x1  }
0xa5: {  	[sflag:s24] =	ssyncset.done $0x0  }
0xa6: {  	s25 =	simm.s32 $0x1B8E;
	[sflag:s24] =	ssyncadd.s32 $0xFFFFFFFF  }
0xa7: {  	s26 =	simm.s32 $execute0_lowered;
	[smem:$0x3FD2] =	sst s25  }
0xa8: {  	s6 =	sshll.u32 s26, $0x1;
	_ =	strace $0x80000046;
	[dreg:$0x1] =	wrdreg $0xFFFFFFFF  }
0xa9: {  	s28 =	simm.s32 $_size_execute0_lowered;
	s5 =	sadd.s32 s5, s6;
	[dreg:$0x0] =	wrdreg $0x0  }
0xaa: {  	s6 =	sshll.u32 s28, $0x1;
	[dreg:$0x2] =	wrdreg s5  }
0xab: {  	[dreg:$0x3] =	wrdreg s6  }
0xac: {  	[dreg:$0x4] =	wrdreg $0xC0  }
0xad: {  	_ =	task [dreg:s9], $0x5FFFF  }
0xae: {  	[dreg:$0x1] =	wrdreg $0xFFFFFFFF  }
0xaf: {  	[dreg:$0x0] =	wrdreg $0x60  }
0xb0: {  	[dreg:$0x2] =	wrdreg s2  }
0xb1: {  	[dreg:$0x3] =	wrdreg s19  }
0xb2: {  	[dreg:$0x4] =	wrdreg s4  }
0xb3: {  	[dreg:$0x5] =	wrdreg $0x9  }
0xb4: {  	_ =	task.clear_ibuf [dreg:s9], $0x6FFFF;
	_ =	strace $0x90000046  }
0xb5: {  	s29 =	simm.s32 $0x9;
	_ =	strace $0x80000048  }
0xb6: {  	_ =	swait.ge [sflag:s29], $0x1  }
0xb7: {  	[sflag:s29] =	ssyncadd.s32 $0xFFFFFFFF  }
0xb8: {  	_ =	strace $0x90000048  }
0xb9: {  	_ =	sfence  }
0xba: {  	s30 =	sld [smem:$0x0];
	_ =	sdelay $0x2  }
0xbb: {  	s31 =	sshll.u32 s1, $0xD;
	s1 =	sshrl.u32 s1, $0x2  }
0xbc: {  	s3 =	sand.u32 $0x4000, s31;
	s1 =	sadd.s32 s1, s30  }
0xbd: {  	s0 =	sor.u32 s3, s0;
	s1 =	sshll.u32 s1, $0x11  }
0xbe: {  	s0 =	sor.u32 s1, s0  }
0xbf: {  	s0 =	sadd.s32 $0x8F2B, s0  }
0xc0: {  	[sflag:s0] =	ssyncadd.remote.s32 $0x1  }
0xc1: {  	_ =	sfence.sel $0xFFFF  }
0xc2: {  	[dreg:$0x0] =	wrdreg $0xFFFFFFFF;
	(pc) =	sbr.abs _section_cstart, $3  }
0xc3: {  	[dreg:$0x1] =	wrdreg $0xFFFFFFFF  }
0xc4: {  	_ =	task.clear_ibuf [dreg:s9], $0x2FFFF;
	_ =	strace $0x9FFFFFFF  }
0xc5: {  	(tm) =	ssettm $0x7FFFFFFF  }
tec
execute0_lowered:
.L_overlay_start_1:
0x0: {  	(tag) =	ssettag $0x1  }
0x1: {  	s1 =	rddreg [dreg:$0x0]  }
0x2: {  	s3 =	rddreg [dreg:$0x1]  }
0x3: {  	s4 =	rddreg [dreg:$0x2];
	s5 =	srdreg.scid  }
0x4: {  	s0 =	rddreg [dreg:$0x3];
	s2 =	stileid.u32;
	s10 =	simm.s32 $0x80  }
0x5: {  	s11 =	simm.s32 $0x400;
	s12 =	simm.s32 $0x2000;
	s14 =	simm.s32 $0xA000  }
0x6: {  	s15 =	simm.s32 $0x2;
	s16 =	simm.s32 $0x1;
	s5 =	sand.u32 $0x1, s5  }
0x7: {  	s17 =	simm.s32 $0x0;
	s6 =	sshll.u32 s2, $0x6;
	s8 =	sshll.u32 s5, $0x5  }
0x8: {  	s7 =	ssub.s32 $0x2, s5;
	s5 =	simm.s32 $0x0;
	s6 =	sor.u32 s8, s6  }
0x9: {  	s9 =	sshrl.u32 s7, $0x1;
	[smem:$0x7FF] =	sst s5;
	s31 =	sshll.u32 s6, $0xD  }
0xa: {  	s30 =	ssub.s32 s7, s9;
	_ =	strace $0x80000047;
	s7 =	sadd.s32 s1, s31  }
0xb: {  	s9 =	simm.s32 $0x3;
	s8 =	smax.u32 s30, $0x1;
	s13 =	sadd.s32 $0x8000, s7  }
.LBB2_1:
0xc: {  	[tilespmem:s5], [sflag:$0x3] =	stream.linear.gather [hbm4b:s3+s5], $0x2000, $0x38;
	[tilespmem:$0x1E000] =	vst v63  }
0xd: {  	_ =	swait.ge [sflag:s9], $0x2000  }
0xe: {  	[sflag:s9] =	ssyncset.done $0x0  }
0xf: {  	[sflag:s9] =	ssyncadd.s32 $0xFFFFE000  }
0x10: {  	[tilespmem:s12], [sflag:$0x2] =	stream.strided.gather [hbm4b:s7+s10], $0x8000, s11, s10, $0x38;
	[tilespmem:$0x1E000] =	vst v63  }
0x11: {  	s18 =	simm.s32 $0x0  }
0x12: {  	[tilespmem:s14], [sflag:$0x2] =	stream.strided.gather [hbm4b:s13+s10], $0x8000, s11, s10, $0x38;
	[tilespmem:$0x1E000] =	vst v63  }
.LBB2_2:
0x13: {  	s21 =	sshll.u32 s18, $0x1;
	p0 =	seq.s32 s18, $0x1F  }
0x14: {  	s20 =	sadd.s32 @!p0 $0x2, s21  }
0x15: {  	s19 =	sand.u32 @!p0 $0xFF, s20  }
0x16: {  	s19 =	smul.u32 @!p0 $0xAB, s19;
	_ =	sdelay $0x1  }
0x17: {  	s19 =	sshrl.u32 @!p0 s19, $0x9  }
0x18: {  	s22 =	smul.u32 @!p0 $0x3, s19;
	_ =	sdelay $0x1  }
0x19: {  	s19 =	sadd.s32 @!p0 $0x1, s18;
	s20 =	ssub.s32 @!p0 s20, s22  }
0x1a: {  	s23 =	sshll.u32 @!p0 s19, $0x4;
	s22 =	sadd.s32 @!p0 s6, s19;
	s20 =	sand.u32 @!p0 $0xFF, s20  }
0x1b: {  	s23 =	sand.u32 @!p0 $0x70, s23;
	s22 =	sshll.u32 @!p0 s22, $0xD;
	s20 =	sshll.u32 @!p0 s20, $0xF  }
0x1c: {  	s22 =	sand.u32 @!p0 $0xFF0000, s22;
	s24 =	sor.u32 @!p0 $0x2000, s20;
	s20 =	sadd.s32 @!p0 s1, s23  }
0x1d: {  	s23 =	simm.s32 @!p0 $0x400;
	s20 =	sadd.s32 @!p0 s22, s20;
	s22 =	simm.s32 @!p0 $0x80  }
0x1e: {  	[tilespmem:s24], [sflag:$0x2] =	stream.strided.gather @!p0 [hbm4b:s20+s22], $0x8000, s23, s22, $0x38;
	[tilespmem:$0x1E000] =	vst v63  }
0x1f: {  	_ =	swait.ge [sflag:s15], $0x10000  }
0x20: {  	p1 =	slt.u32 s18, $0x2;
	[sflag:s15] =	ssyncset.done $0x0  }
0x21: {  	s24 =	simm.s32 @!p1 $0x1;
	[sflag:s15] =	ssyncadd.s32 $0xFFFF0000  }
0x22: {  	_ =	swait.ge @!p1 [sflag:s24], $0x2000  }
0x23: {  	[sflag:s24] =	ssyncset.done @!p1 $0x0  }
0x24: {  	s31 =	simm.s32 $0x80;
	[sflag:s24] =	ssyncadd.s32 @!p1 $0xFFFFE000  }
0x25: {  	v2 =	vld [tilespmem:s31+$0x70]  }
0x26: {  	s30 =	sshllo.u32 s18, $0x1;
	v3 =	vld [tilespmem:s31+$0xFFFFFF90]  }
0x27: {  	s25 =	sand.u32 $0xFF, s30;
	v4 =	vld [tilespmem:s31+$0xFFFFFFA0]  }
0x28: {  	s29 =	sand.u32 $0xFE, s21;
	s25 =	smul.u32 $0xAB, s25;
	v5 =	vld [tilespmem:s31+$0xFFFFFFB0]  }
0x29: {  	s22 =	smul.u32 $0xAB, s29;
	v6 =	vld [tilespmem:s31+$0xFFFFFFC0]  }
0x2a: {  	s25 =	sshrl.u32 s25, $0x9;
	v7 =	vld [tilespmem:s31+$0xFFFFFFD0]  }
0x2b: {  	s25 =	smul.u32 $0x3, s25;
	s22 =	sshrl.u32 s22, $0x9;
	v8 =	vld [tilespmem:s31+$0xFFFFFFE0]  }
0x2c: {  	s22 =	smul.u32 $0x3, s22;
	v10 =	vld [tilespmem:s31+$0xFFFFFF80]  }
0x2d: {  	s26 =	ssub.s32 s30, s25;
	v11 =	vld [tilespmem:s31+$0xFFFFFFF0]  }
0x2e: {  	s21 =	ssub.s32 s21, s22;
	s22 =	sand.u32 $0xFF, s26;
	v12 =	vld [tilespmem:s31+$0x0]  }
0x2f: {  	s21 =	sand.u32 $0xFF, s21;
	s22 =	sshll.u32 s22, $0xF;
	v13 =	vld [tilespmem:s31+$0x10]  }
0x30: {  	s21 =	sshll.u32 s21, $0xF;
	v1 =	vmov s22;
	v16 =	vld [tilespmem:s31+$0x20]  }
0x31: {  	v17 =	vld [tilespmem:s31+$0x30];
	v0 =	vmov s21;
	vm0 =	vgt.s32 v2, $0x7FFF;
	v2 =	vand.u32 $0x7FFF, v2  }
0x32: {  	v18 =	vld [tilespmem:s31+$0x40];
	vm10 =	vgt.s32 v3, $0x7FFF;
	vm11 =	vgt.s32 v4, $0x7FFF;
	v3 =	vand.u32 $0x7FFF, v3  }
0x33: {  	s28 =	simm.s32 $0x180;
	v19 =	vld [tilespmem:s31+$0x60];
	vm1 =	vgt.s32 v5, $0x7FFF;
	v4 =	vand.u32 $0x7FFF, v4;
	vm12 =	vgt.s32 v6, $0x7FFF  }
0x34: {  	v20 =	vld [tilespmem:s28+$0x70];
	vm13 =	vgt.s32 v10, $0x7FFF;
	v5 =	vand.u32 $0x7FFF, v5;
	vm14 =	vgt.s32 v7, $0x7FFF  }
0x35: {  	v23 =	vld [tilespmem:s28+$0xFFFFFF90];
	v6 =	vand.u32 $0x7FFF, v6;
	v7 =	vand.u32 $0x7FFF, v7;
	vm15 =	vgt.s32 v8, $0x7FFF  }
0x36: {  	v24 =	vld [tilespmem:s28+$0xFFFFFFA0];
	vm4 =	vgt.s32 v11, $0x7FFF;
	v8 =	vand.u32 $0x7FFF, v8;
	vm5 =	vgt.s32 v12, $0x7FFF  }
0x37: {  	v27 =	vld [tilespmem:s28+$0xFFFFFFB0];
	v11 =	vand.u32 $0x7FFF, v11;
	vm6 =	vgt.s32 v13, $0x7FFF;
	v12 =	vand.u32 $0x7FFF, v12  }
0x38: {  	v30 =	vld [tilespmem:s28+$0xFFFFFFD0];
	vm7 =	vgt.s32 v16, $0x7FFF;
	v13 =	vand.u32 $0x7FFF, v13;
	vm8 =	vgt.s32 v17, $0x7FFF  }
0x39: {  	v31 =	vld [tilespmem:s28+$0xFFFFFFE0];
	v16 =	vand.u32 $0x7FFF, v16;
	v17 =	vand.u32 $0x7FFF, v17;
	vm9 =	vgt.s32 v18, $0x7FFF  }
0x3a: {  	v28 =	vld [tilespmem:s28+$0xFFFFFFC0];
	v18 =	vand.u32 $0x7FFF, v18;
	v9 =	vsel vm0, v1, v0;
	v14 =	vsel vm11, v1, v0  }
0x3b: {  	v34 =	vld [tilespmem:s28+$0xFFFFFFF0];
	v15 =	vsel vm1, v1, v0;
	v21 =	vsel vm5, v1, v0;
	v22 =	vsel vm6, v1, v0  }
0x3c: {  	v55 =	vld [tilespmem:s28+$0x40];
	v25 =	vsel vm7, v1, v0;
	v26 =	vsel vm8, v1, v0;
	v29 =	vsel vm9, v1, v0  }
0x3d: {  	v57 =	vld [tilespmem:s28+$0x50];
	vm11 =	vgt.s32 v20, $0x7FFF;
	v20 =	vand.u32 $0x7FFF, v20;
	vm5 =	vgt.s32 v30, $0x7FFF  }
0x3e: {  	v36 =	vld [tilespmem:s28+$0x60];
	vm6 =	vgt.s32 v31, $0x7FFF;
	v2 =	vor.u32 v2, v9;
	v9 =	vsel vm10, v1, v0  }
0x3f: {  	v38 =	vld [tilespmem:s28+$0xFFFFFF80];
	v4 =	vor.u32 v4, v14;
	v14 =	vsel vm12, v1, v0;
	v5 =	vor.u32 v5, v15  }
0x40: {  	v15 =	vsel vm14, v1, v0;
	v12 =	vor.u32 v12, v21;
	v13 =	vor.u32 v13, v22;
	v21 =	vld [tilespmem:s28+$0x20]  }
0x41: {  	v22 =	vld [tilespmem:s28+$0x30];
	v3 =	vor.u32 v3, v9;
	v9 =	vand.u32 $0x7FFF, v10;
	v10 =	vsel vm13, v1, v0  }
0x42: {  	v6 =	vor.u32 v6, v14;
	v14 =	vsel vm15, v1, v0;
	v9 =	vor.u32 v9, v10;
	v10 =	vld [tilespmem:s31+$0x50]  }
0x43: {  	v7 =	vor.u32 v7, v15;
	v15 =	vsel vm4, v1, v0;
	v8 =	vor.u32 v8, v14;
	v14 =	vld [tilespmem:s28+$0x0]  }
0x44: {  	v30 =	vand.u32 $0x7FFF, v30;
	vm7 =	vgt.s32 v34, $0x7FFF;
	v11 =	vor.u32 v11, v15;
	v15 =	vld [tilespmem:s28+$0x10]  }
0x45: {  	v32 =	vsel vm11, v1, v0;
	vm12 =	vgt.s32 v19, $0x7FFF;
	v19 =	vand.u32 $0x7FFF, v19;
	v2 =	vld.idx.msk [tilespmem:v2+s12+$0x0], $0xffff  }
0x46: {  	v16 =	vor.u32 v16, v25;
	v17 =	vor.u32 v17, v26;
	v18 =	vor.u32 v18, v29;
	v4 =	vld.idx.msk [tilespmem:v4+s12+$0x0], $0xffff  }
0x47: {  	vm14 =	vgt.s32 v24, $0x7FFF;
	v24 =	vand.u32 $0x7FFF, v24;
	v37 =	vsel vm5, v1, v0;
	v5 =	vld.idx.msk [tilespmem:v5+s12+$0x0], $0xffff  }
0x48: {  	v39 =	vsel vm6, v1, v0;
	v58 =	vsel vm7, v1, v0;
	v20 =	vor.u32 v20, v32;
	v41 =	vld.idx.msk [tilespmem:v12+s12+$0x0], $0xffff  }
0x49: {  	vm11 =	vgt.s32 v38, $0x7FFF;
	v52 =	vsel vm12, v1, v0;
	vm13 =	vgt.s32 v23, $0x7FFF;
	v43 =	vld.idx.msk [tilespmem:v13+s12+$0x0], $0xffff  }
0x4a: {  	v23 =	vand.u32 $0x7FFF, v23;
	v54 =	vsel vm14, v1, v0;
	vm15 =	vgt.s32 v27, $0x7FFF;
	v3 =	vld.idx.msk [tilespmem:v3+s12+$0x0], $0xffff  }
0x4b: {  	s29 =	sand.u32 $0x1, s18;
	vm4 =	vgt.s32 v28, $0x7FFF;
	v28 =	vand.u32 $0x7FFF, v28;
	v62 =	vor.u32 v30, v37;
	v6 =	vld.idx.msk [tilespmem:v6+s12+$0x0], $0xffff  }
0x4c: {  	s30 =	sshll.u32 s29, $0xD;
	v19 =	vor.u32 v19, v52;
	v53 =	vsel vm13, v1, v0;
	v56 =	vsel vm15, v1, v0;
	v7 =	vld.idx.msk [tilespmem:v7+s12+$0x0], $0xffff  }
0x4d: {  	s22 =	sadd.s32 $0x1A080, s30;
	v35 =	vsel vm4, v1, v0;
	vm13 =	vgt.s32 v55, $0x7FFF;
	v23 =	vor.u32 v23, v53;
	v20 =	vld.idx.msk [tilespmem:v20+s12+$0x0], $0xffff  }
0x4e: {  	v27 =	vand.u32 $0x7FFF, v27;
	v60 =	vsel vm13, v1, v0;
	v61 =	vor.u32 v28, v35;
	v9 =	vld.idx.msk [tilespmem:v9+s12+$0x0], $0xffff;
	[tilespmem:s22+$0x70] =	vst v2  }
0x4f: {  	v12 =	vsel vm11, v1, v0;
	vm12 =	vgt.s32 v22, $0x7FFF;
	vm10 =	vgt.s32 v10, $0x7FFF;
	v8 =	vld.idx.msk [tilespmem:v8+s12+$0x0], $0xffff;
	[tilespmem:s22+$0xFFFFFFA0] =	vst v4  }
0x50: {  	v10 =	vand.u32 $0x7FFF, v10;
	vm8 =	vgt.s32 v14, $0x7FFF;
	v40 =	vld.idx.msk [tilespmem:v11+s12+$0x0], $0xffff;
	vm9 =	vgt.s32 v15, $0x7FFF;
	[tilespmem:s22+$0xFFFFFFB0] =	vst v5  }
0x51: {  	v11 =	vld.idx.msk [tilespmem:v17+s12+$0x0], $0xffff;
	v33 =	vsel vm10, v1, v0;
	v59 =	vsel vm8, v1, v0;
	vm10 =	vgt.s32 v21, $0x7FFF;
	[tilespmem:s22+$0x0] =	vst v41  }
0x52: {  	v10 =	vor.u32 v10, v33;
	v4 =	vand.u32 $0x7FFF, v15;
	v15 =	vld.idx.msk [tilespmem:v16+s12+$0x0], $0xffff;
	v16 =	vor.u32 v24, v54;
	[tilespmem:s22+$0xFFFFFF90] =	vst v3  }
0x53: {  	v5 =	vand.u32 $0x7FFF, v21;
	v21 =	vld.idx.msk [tilespmem:v23+s12+$0x0], $0xffff;
	v3 =	vand.u32 $0x7FFF, v14;
	[tilespmem:s22+$0xFFFFFF80] =	vst v9;
	v9 =	vand.u32 $0x7FFF, v38  }
0x54: {  	[tilespmem:s22+$0xFFFFFFC0] =	vst v6;
	v6 =	vsel vm12, v1, v0;
	v14 =	vld.idx.msk [tilespmem:v19+s12+$0x0], $0xffff;
	v19 =	vand.u32 $0x7FFF, v22;
	v17 =	vor.u32 v9, v12  }
0x55: {  	vm14 =	vgt.s32 v57, $0x7FFF;
	v23 =	vor.u32 v27, v56;
	[tilespmem:s22+$0x10] =	vst v43;
	v6 =	vor.u32 v19, v6;
	v19 =	vld.idx.msk [tilespmem:v61+s12+$0x0], $0xffff  }
0x56: {  	s23 =	sadd.s32 $0x100, s22;
	vm15 =	vgt.s32 v36, $0x7FFF;
	v42 =	vsel vm9, v1, v0;
	v44 =	vsel vm10, v1, v0;
	[tilespmem:s22+$0xFFFFFFD0] =	vst v7;
	v12 =	vld.idx.msk [tilespmem:v18+s12+$0x0], $0xffff  }
0x57: {  	v63 =	vand.u32 $0x7FFF, v55;
	[tilespmem:s23+$0x70] =	vst v20;
	v20 =	vsel vm14, v1, v0;
	v22 =	vsel vm15, v1, v0;
	v13 =	vld.idx.msk [tilespmem:v10+s12+$0x0], $0xffff  }
0x58: {  	v31 =	vand.u32 $0x7FFF, v31;
	v5 =	vor.u32 v5, v44;
	[tilespmem:s22+$0xFFFFFFE0] =	vst v8;
	v7 =	vor.u32 v3, v59;
	v16 =	vld.idx.msk [tilespmem:v16+s12+$0x0], $0xffff  }
0x59: {  	s31 =	sshll.u32 s18, $0xD;
	v2 =	vand.u32 $0x7FFF, v34;
	[tilespmem:s22+$0xFFFFFFF0] =	vst v40;
	v8 =	vor.u32 v4, v42;
	v4 =	vor.u32 v63, v60;
	v17 =	vld.idx.msk [tilespmem:v17+s12+$0x0], $0xffff  }
0x5a: {  	s24 =	sand.u32 $0x2000, s31;
	v9 =	vor.u32 v2, v58;
	v2 =	vand.u32 $0x7FFF, v57;
	[tilespmem:s23+$0xFFFFFF90] =	vst v21;
	v18 =	vld.idx.msk [tilespmem:v23+s12+$0x0], $0xffff;
	v21 =	vand.u32 $0x7FFF, v36  }
0x5b: {  	s25 =	simm.s32 $0x100;
	s26 =	simm.s32 $0x280;
	s24 =	sadd.s32 $0x1A000, s24;
	v10 =	vor.u32 v31, v39;
	v3 =	vor.u32 v2, v20;
	v20 =	vld.idx.msk [tilespmem:v62+s12+$0x0], $0xffff;
	v2 =	vor.u32 v21, v22  }
.LBB2_3:
0x5c: {  	v21 =	vld [tilespmem:s26+$0x70];
	s25 =	sadd.s32 $0x100, s25;
	[tilespmem:s22+$0x20] =	vst v15  }
0x5d: {  	v15 =	vld [tilespmem:s26+$0xFFFFFF90];
	p1 =	slt.u32 s25, $0x1F00;
	[tilespmem:s23+$0xFFFFFFA0] =	vst v16  }
0x5e: {  	v16 =	vld [tilespmem:s26+$0xFFFFFFA0];
	[tilespmem:s23+$0xFFFFFF80] =	vst v17  }
0x5f: {  	v17 =	vld [tilespmem:s26+$0xFFFFFFB0];
	[tilespmem:s23+$0xFFFFFFB0] =	vst v18  }
0x60: {  	v18 =	vld [tilespmem:s26+$0xFFFFFFC0];
	[tilespmem:s23+$0xFFFFFFC0] =	vst v19  }
0x61: {  	v19 =	vld [tilespmem:s26+$0xFFFFFFD0];
	vm0 =	vgt.s32 v21, $0x7FFF;
	[tilespmem:s23+$0xFFFFFFD0] =	vst v20  }
0x62: {  	v21 =	vand.u32 $0x7FFF, v21;
	vm1 =	vgt.s32 v15, $0x7FFF;
	v20 =	vld [tilespmem:s26+$0xFFFFFFE0];
	v22 =	vsel vm0, v1, v0;
	[tilespmem:s22+$0x30] =	vst v11  }
0x63: {  	v11 =	vsel vm1, v1, v0;
	vm0 =	vgt.s32 v16, $0x7FFF;
	v23 =	vld [tilespmem:s26+$0xFFFFFFF0];
	v21 =	vor.u32 v21, v22;
	[tilespmem:s22+$0x40] =	vst v12  }
0x64: {  	v12 =	vand.u32 $0x7FFF, v15;
	v22 =	vsel vm0, v1, v0;
	vm0 =	vgt.s32 v17, $0x7FFF;
	v15 =	vld [tilespmem:s26+$0x0];
	[tilespmem:s22+$0x50] =	vst v13  }
0x65: {  	v13 =	vand.u32 $0x7FFF, v16;
	v16 =	vsel vm0, v1, v0;
	vm0 =	vgt.s32 v18, $0x7FFF;
	v24 =	vld [tilespmem:s26+$0x10];
	[tilespmem:s22+$0x60] =	vst v14;
	s22 =	smov.u32 s23  }
0x66: {  	v14 =	vand.u32 $0x7FFF, v17;
	v17 =	vsel vm0, v1, v0;
	vm0 =	vgt.s32 v19, $0x7FFF;
	v25 =	vld [tilespmem:s26+$0x20]  }
0x67: {  	v18 =	vand.u32 $0x7FFF, v18;
	v26 =	vsel vm0, v1, v0;
	vm0 =	vgt.s32 v20, $0x7FFF;
	v27 =	vld [tilespmem:s26+$0x30]  }
0x68: {  	v19 =	vand.u32 $0x7FFF, v19;
	v28 =	vsel vm0, v1, v0;
	vm0 =	vgt.s32 v23, $0x7FFF;
	v21 =	vld.idx.msk [tilespmem:v21+s12+$0x0], $0xffff  }
0x69: {  	v20 =	vand.u32 $0x7FFF, v20;
	v29 =	vsel vm0, v1, v0;
	vm0 =	vgt.s32 v15, $0x7FFF;
	v30 =	vld [tilespmem:s26+$0x40]  }
0x6a: {  	v23 =	vand.u32 $0x7FFF, v23;
	v31 =	vsel vm0, v1, v0;
	vm0 =	vgt.s32 v24, $0x7FFF;
	v32 =	vld [tilespmem:s26+$0x50]  }
0x6b: {  	v33 =	vand.u32 $0x7FFF, v15;
	v34 =	vsel vm0, v1, v0;
	vm0 =	vgt.s32 v25, $0x7FFF;
	v15 =	vld [tilespmem:s26+$0x60]  }
0x6c: {  	v24 =	vand.u32 $0x7FFF, v24;
	v35 =	vld [tilespmem:s26+$0xFFFFFF80];
	v36 =	vsel vm0, v1, v0;
	vm0 =	vgt.s32 v27, $0x7FFF  }
0x6d: {  	s23 =	sadd.s32 $0x100, s23;
	v25 =	vand.u32 $0x7FFF, v25;
	v27 =	vand.u32 $0x7FFF, v27;
	v37 =	vsel vm0, v1, v0;
	v38 =	vld.idx.msk [tilespmem:v10+s12+$0x0], $0xffff  }
0x6e: {  	v10 =	vor.u32 v12, v11;
	vm0 =	vgt.s32 v30, $0x7FFF;
	v30 =	vand.u32 $0x7FFF, v30;
	[tilespmem:s23+$0x70] =	vst v21;
	v21 =	vld.idx.msk [tilespmem:v9+s12+$0x0], $0xffff  }
0x6f: {  	v39 =	vsel vm0, v1, v0;
	vm0 =	vgt.s32 v32, $0x7FFF;
	v32 =	vand.u32 $0x7FFF, v32;
	v40 =	vld.idx.msk [tilespmem:v7+s12+$0x0], $0xffff  }
0x70: {  	v41 =	vsel vm0, v1, v0;
	vm0 =	vgt.s32 v15, $0x7FFF;
	v42 =	vand.u32 $0x7FFF, v15;
	v43 =	vld.idx.msk [tilespmem:v8+s12+$0x0], $0xffff  }
0x71: {  	vm1 =	vgt.s32 v35, $0x7FFF;
	v7 =	vand.u32 $0x7FFF, v35;
	v35 =	vsel vm0, v1, v0;
	v15 =	vld.idx.msk [tilespmem:v5+s12+$0x0], $0xffff  }
0x72: {  	v22 =	vor.u32 v13, v22;
	v44 =	vor.u32 v14, v16;
	v5 =	vsel vm1, v1, v0;
	v11 =	vld.idx.msk [tilespmem:v6+s12+$0x0], $0xffff  }
0x73: {  	v47 =	vor.u32 v18, v17;
	v26 =	vor.u32 v19, v26;
	v45 =	vor.u32 v7, v5;
	v46 =	vld.idx.msk [tilespmem:v10+s12+$0x0], $0xffff  }
0x74: {  	v9 =	vor.u32 v23, v29;
	v10 =	vor.u32 v20, v28;
	v7 =	vor.u32 v33, v31;
	v12 =	vld.idx.msk [tilespmem:v4+s12+$0x0], $0xffff  }
0x75: {  	v8 =	vor.u32 v24, v34;
	v6 =	vor.u32 v27, v37;
	v5 =	vor.u32 v25, v36;
	v13 =	vld.idx.msk [tilespmem:v3+s12+$0x0], $0xffff  }
0x76: {  	v4 =	vor.u32 v30, v39;
	v3 =	vor.u32 v32, v41;
	v14 =	vld.idx.msk [tilespmem:v2+s12+$0x0], $0xffff;
	v2 =	vor.u32 v42, v35  }
.Ltmp0:
0x77: {  	v16 =	vld.idx.msk [tilespmem:v22+s12+$0x0], $0xffff;
	[tilespmem:s22+$0xFFFFFFE0] =	vst v38;
	(pc) =	sbr.rel @p1 .LBB2_3-.Ltmp0, $4  }
0x78: {  	v17 =	vld.idx.msk [tilespmem:v45+s12+$0x0], $0xffff;
	[tilespmem:s22+$0xFFFFFFF0] =	vst v21  }
0x79: {  	[tilespmem:s23+$0xFFFFFF90] =	vst v46;
	v18 =	vld.idx.msk [tilespmem:v44+s12+$0x0], $0xffff  }
0x7a: {  	v19 =	vld.idx.msk [tilespmem:v47+s12+$0x0], $0xffff;
	[tilespmem:s22+$0x0] =	vst v40  }
0x7b: {  	s26 =	sadd.s32 $0x100, s26;
	v20 =	vld.idx.msk [tilespmem:v26+s12+$0x0], $0xffff;
	[tilespmem:s22+$0x10] =	vst v43  }
0x7c: {  	[tilespmem:s22+$0x20] =	vst v15  }
0x7d: {  	[tilespmem:s23+$0xFFFFFFA0] =	vst v16  }
0x7e: {  	[tilespmem:s22+$0x30] =	vst v11  }
0x7f: {  	[tilespmem:s22+$0x40] =	vst v12  }
0x80: {  	[tilespmem:s22+$0x50] =	vst v13  }
0x81: {  	v0 =	vld.idx.msk [tilespmem:v10+s12+$0x0], $0xffff;
	[tilespmem:s22+$0x60] =	vst v14  }
0x82: {  	v1 =	vld.idx.msk [tilespmem:v9+s12+$0x0], $0xffff;
	[tilespmem:s23+$0xFFFFFF80] =	vst v17  }
0x83: {  	v7 =	vld.idx.msk [tilespmem:v7+s12+$0x0], $0xffff;
	[tilespmem:s23+$0xFFFFFFB0] =	vst v18  }
0x84: {  	v8 =	vld.idx.msk [tilespmem:v8+s12+$0x0], $0xffff;
	[tilespmem:s23+$0xFFFFFFC0] =	vst v19  }
0x85: {  	v5 =	vld.idx.msk [tilespmem:v5+s12+$0x0], $0xffff;
	[tilespmem:s23+$0xFFFFFFD0] =	vst v20  }
0x86: {  	v6 =	vld.idx.msk [tilespmem:v6+s12+$0x0], $0xffff;
	[tilespmem:s23+$0xFFFFFFE0] =	vst v0  }
0x87: {  	v62 =	vld.idx.msk [tilespmem:v4+s12+$0x0], $0xffff;
	[tilespmem:s23+$0xFFFFFFF0] =	vst v1  }
0x88: {  	v63 =	vld.idx.msk [tilespmem:v3+s12+$0x0], $0xffff;
	[tilespmem:s23+$0x0] =	vst v7  }
0x89: {  	v2 =	vld.idx.msk [tilespmem:v2+s12+$0x0], $0xffff;
	[tilespmem:s23+$0x10] =	vst v8  }
0x8a: {  	[tilespmem:s23+$0x20] =	vst v5  }
0x8b: {  	[tilespmem:s23+$0x30] =	vst v6  }
0x8c: {  	[tilespmem:s23+$0x40] =	vst v62  }
0x8d: {  	s21 =	sadd.s32 @!p0 $0x2000, s21;
	s20 =	sadd.s32 @!p0 $0x8000, s20;
	[tilespmem:s23+$0x50] =	vst v63  }
0x8e: {  	s22 =	simm.s32 @!p0 $0x80;
	s19 =	simm.s32 @p0 $0x20;
	[tilespmem:s23+$0x60] =	vst v2;
	s23 =	simm.s32 @!p0 $0x400  }
0x8f: {  	[tilespmem:s21], [sflag:$0x2] =	stream.strided.gather @!p0 [hbm4b:s20+s22], $0x8000, s23, s22, $0x38;
	[tilespmem:$0x1E000] =	vst v63  }
0x90: {  	s30 =	sadd.s32 s6, s18;
	s31 =	sshll.u32 s18, $0x4;
	p0 =	sne.s32 s19, $0x20  }
.Ltmp1:
0x91: {  	s18 =	sand.u32 $0x70, s31;
	s20 =	sshll.u32 s30, $0xA;
	(pc) =	sbr.rel @p0 .LBB2_2-.Ltmp1, $4  }
0x92: {  	s18 =	sadd.s32 s4, s18;
	s20 =	sand.u32 $0xFE000, s20  }
0x93: {  	s18 =	sadd.s32 s20, s18  }
0x94: {  	[hbm4b:s18+s10] =	stream.strided.scatter [tilespmem:s24], [sflag:$0x1], $0x2000, s11, s10, $0x38;
	[tilespmem:$0x1E000] =	vst v63  }
0x95: {  	s18 =	smov.u32 s19  }
0x96: {  	s17 =	sadd.s32 $0x1, s17  }
0x97: {  	_ =	swait.ge [sflag:s16], $0x2000;
	p0 =	sne.s32 s17, s8  }
.Ltmp2:
0x98: {  	[sflag:s16] =	ssyncset.done $0x0;
	(pc) =	sbr.rel @p0 .LBB2_1-.Ltmp2, $4  }
0x99: {  	[sflag:s16] =	ssyncadd.s32 $0xFFFFE000  }
0x9a: {  	_ =	swait.ge [sflag:s16], $0x2000  }
0x9b: {  	[sflag:s16] =	ssyncset.done $0x0  }
0x9c: {  	[sflag:s16] =	ssyncadd.s32 $0xFFFFE000  }
0x9d: {  	_ =	sfence.sel $0x180000  }
0x9e: {  	[bflag:$0x0] =	sbarrier.arrive $0xFFFF  }
0x9f: {  	p0 =	sne.s32 s2, $0x0;
	_ =	strace $0x90000047  }
0xa0: {  	s0 =	sadd.s32 @!p0 $0x100000, s0;
	[bflag:$0x2] =	sbarrier.arrive $0xFFFF  }
0xa1: {  	[sflag:s0] =	ssyncadd.tile.s32 @!p0 $0x1;
	_ =	shalt  }
.Lfunc_end2:
_tile_overlayer_lowered:
.L_overlay_start_2:
0xa2: {  	(tag) =	ssettag $0x2  }
0xa3: {  	s0 =	rddreg [dreg:$0x0];
	s2 =	stileid.u32  }
0xa4: {  	s1 =	rddreg [dreg:$0x1];
	p0 =	sne.s32 s2, $0x0  }
0xa5: {  	s3 =	rddreg [dreg:$0x2];
	[bflag:$0x3] =	sbarrier.arrive $0xFFFF;
	s2 =	simm.s32 @!p0 $0x1C03  }
0xa6: {  	[timem:s3], [sflag:s2] =	dma.local @!p0 [hbm:s0], s1  }
0xa7: {  	s0 =	simm.s32 @!p0 $0x3  }
0xa8: {  	_ =	swait.ge @!p0 [sflag:s0], s1  }
0xa9: {  	s1 =	ssub.s32 @!p0 $0x0, s1;
	[sflag:s0] =	ssyncset.done @!p0 $0x0  }
0xaa: {  	[sflag:s0] =	ssyncadd.s32 @!p0 s1  }
0xab: {  	[bflag:$0x3] =	sbarrier.arrive $0xFFFF  }
0xac: {  	_ =	shalt  }

</sc_bundles>
